<compile_context>
chip_gen: v7x
topology: tpu7x:2x2x1
jax: 0.10.2.dev20260603
libtpu: 0.0.44.dev20260713+nightly
codegen_flags: <defaults>
</compile_context>

<pallas_src>
import functools
import math

import jax
import jax.numpy as jnp
from jax import lax
from jax.experimental import pallas as pl
from jax.experimental.pallas import tpu as pltpu
from jax.experimental.pallas import tpu_sc as plsc

_NUM_EXPERTS = 8
_NUM_HASHES = 4
_N_TOKENS = 8192
_BT = 1024

_EPS = 1e-8
_LOG_EPS = float(math.log(1e-8))

_NC = 2
_NS = 16
_NW = _NC * _NS
_TPW = _N_TOKENS // _NW
_L = 16
_RPW = _TPW * _NUM_EXPERTS // 128


def _tc_body(x_ref, w_ref, hvt_ref):
    x = x_ref[...]
    w = w_ref[...]
    hvt_ref[...] = lax.dot_general(
        w, x, (((1,), (1,)), ((), ())),
        preferred_element_type=jnp.float32)


def _sc_route(hvt_hbm, probs_hbm, logits_hbm, hv_v, probs_v, logits_v):
    wid = lax.axis_index("s") * _NC + lax.axis_index("c")
    tok_base = wid * _TPW
    pltpu.sync_copy(hvt_hbm.at[:, pl.ds(tok_base, _TPW)], hv_v)

    lane = lax.broadcasted_iota(jnp.int32, (_L,), 0)
    expert_lane = lane % _NUM_EXPERTS
    hi_half = lane >= _NUM_EXPERTS

    def _emit(k, carry):
        h0 = hv_v[0, pl.ds(k * _L, _L)]
        h1 = hv_v[1, pl.ds(k * _L, _L)]
        h2 = hv_v[2, pl.ds(k * _L, _L)]
        h3 = hv_v[3, pl.ds(k * _L, _L)]
        e01 = jnp.where(h1 > h0, 1, 0)
        m01 = jnp.maximum(h0, h1)
        e23 = jnp.where(h3 > h2, 3, 2)
        m23 = jnp.maximum(h2, h3)
        ev16 = jnp.where(m23 > m01, e23, e01) % _NUM_EXPERTS
        for j in range(_L // 2):
            e0 = ev16[2 * j]
            e1 = ev16[2 * j + 1]
            ev = jnp.where(hi_half, e1, e0)
            onehot = expert_lane == ev
            probs_v[k, pl.ds(j * _L, _L)] = jnp.where(
                onehot, jnp.float32(1.0), jnp.float32(_EPS))
            logits_v[k, pl.ds(j * _L, _L)] = jnp.where(
                onehot, jnp.float32(0.0), jnp.float32(_LOG_EPS))
        return carry

    lax.fori_loop(0, _RPW, _emit, 0)

    pltpu.sync_copy(probs_v, probs_hbm.at[pl.ds(wid * _RPW, _RPW), :])
    pltpu.sync_copy(logits_v, logits_hbm.at[pl.ds(wid * _RPW, _RPW), :])


@jax.jit
def kernel(x, hash_weights):
    n, d = x.shape
    hvt = pl.pallas_call(
        _tc_body,
        grid=(n // _BT,),
        in_specs=[
            pl.BlockSpec((_BT, d), lambda i: (i, 0)),
            pl.BlockSpec((_NUM_HASHES, d), lambda i: (0, 0)),
        ],
        out_specs=pl.BlockSpec((_NUM_HASHES, _BT), lambda i: (0, i)),
        out_shape=jax.ShapeDtypeStruct((_NUM_HASHES, n), jnp.float32),
        compiler_params=pltpu.CompilerParams(
            dimension_semantics=("parallel",)),
    )(x, hash_weights)

    nrows = n * _NUM_EXPERTS // 128
    sc_fn = functools.partial(
        pl.kernel,
        mesh=plsc.VectorSubcoreMesh(core_axis_name="c", subcore_axis_name="s"),
        out_type=[
            jax.ShapeDtypeStruct((nrows, 128), jnp.float32),
            jax.ShapeDtypeStruct((nrows, 128), jnp.float32),
        ],
        scratch_types=[
            pltpu.VMEM((_NUM_HASHES, _TPW), jnp.float32),
            pltpu.VMEM((_RPW, 128), jnp.float32),
            pltpu.VMEM((_RPW, 128), jnp.float32),
        ],
    )(_sc_route)
    probs2d, logits2d = sc_fn(hvt)
    probs = probs2d.reshape(n, _NUM_EXPERTS)
    logits = logits2d.reshape(n, _NUM_EXPERTS)
    return (logits, probs)

# --- scband reference (transcript-rebuilt; emitter-appended) ---
"""Pipeline reference for scband-hash-router-4801773437284 (READ-ONLY COPY).

The authoritative reference and input builder live on the scoring server;
editing this copy changes nothing except your own understanding.
"""

import jax, jax.numpy as jnp
import numpy as np

D_MODEL = 2048
NUM_EXPERTS = 8
NUM_HASHES = 4
N_TOKENS = 8192


def setup_inputs(seed: int = 0) -> dict:
    key = jax.random.key(seed)
    kx, kw = jax.random.split(key)
    x = jax.random.normal(kx, (N_TOKENS, D_MODEL), dtype=jnp.float32)
    hash_weights = jax.random.normal(kw, (NUM_HASHES, D_MODEL), dtype=jnp.float32) * 0.02
    return {"x": x, "hash_weights": hash_weights}


def reference(x, hash_weights):
    # hash_values = x @ W^T : [N, num_hashes]
    hash_values = jnp.matmul(x, hash_weights.T)
    # argmax over hashes, then mod num_experts
    hash_indices = jnp.argmax(hash_values, axis=-1) % NUM_EXPERTS
    # scatter 1.0 into one-hot expert assignment: [N, num_experts]
    probs = jnp.zeros((x.shape[0], NUM_EXPERTS), dtype=jnp.float32)
    probs = probs.at[jnp.arange(x.shape[0]), hash_indices].set(1.0)
    probs = jnp.clip(probs, 1e-08, 1.0)
    logits = jnp.log(probs)
    return (logits, probs)

if __name__ == "__main__":
    import jax
    _d = setup_inputs()
    print(jax.jit(kernel)(*tuple(_d.values())))

</pallas_src>

<mosaic_0001>
#map = affine_map<(d0, d1) -> (0, 0)>
module attributes {stable_mosaic.version = 14 : i64} {
  func.func @_sc_route(%arg0: i32, %arg1: i32, %arg2: memref<4x8192xf32, #tpu.memory_space<hbm>>, %arg3: memref<512x128xf32, #tpu.memory_space<hbm>>, %arg4: memref<512x128xf32, #tpu.memory_space<hbm>>, %arg5: memref<4x256xf32, #tpu.memory_space<vmem>>, %arg6: memref<16x128xf32, #tpu.memory_space<vmem>>, %arg7: memref<16x128xf32, #tpu.memory_space<vmem>>) attributes {dimension_semantics = [#tpu.dimension_semantics<core_parallel>, #tpu.dimension_semantics<subcore_parallel>], iteration_bounds = array<i64: 2, 16>, scalar_prefetch = 0 : i64, scratch_operands = 3 : i64, tpu.core_type = #tpu.core_type<sc_vector_subcore>, window_params = [{transform_indices = #map}, {transform_indices = #map}, {transform_indices = #map}]} {
    %mul3A = arith.constant 2 : i32
    %mul3A_0 = arith.muli %arg1, %mul3A : i32
    %add3A = arith.addi %mul3A_0, %arg0 : i32
    %mul3A_1 = arith.constant 256 : i32
    %mul3A_2 = arith.muli %add3A, %mul3A_1 : i32
    "tpu.region"() ({
      %run_scoped3A = tpu.sem_alloc : memref<!tpu.dma_semaphore, #tpu.memory_space<semaphore_mem>>
      %dma_start3A = arith.constant 0 : i32
      %dma_start3A_29 = tpu.memref_slice %arg2[%dma_start3A, %mul3A_2] : memref<4x8192xf32, #tpu.memory_space<hbm>> -> memref<4x256xf32, #tpu.memory_space<hbm>>
      %dma_start3A_30 = arith.constant 0 : i32
      %dma_start3A_31 = tpu.memref_slice %arg2[%dma_start3A_30, %mul3A_2] : memref<4x8192xf32, #tpu.memory_space<hbm>> -> memref<4x256xf32, #tpu.memory_space<hbm>>
      tpu.enqueue_dma source(%dma_start3A_31 : memref<4x256xf32, #tpu.memory_space<hbm>>) target(%arg5 : memref<4x256xf32, #tpu.memory_space<vmem>>) target_semaphore(%run_scoped3A : memref<!tpu.dma_semaphore, #tpu.memory_space<semaphore_mem>>)
      %dma_wait3A = arith.constant 0 : i32
      %dma_wait3A_32 = tpu.memref_slice %arg2[%dma_wait3A, %mul3A_2] : memref<4x8192xf32, #tpu.memory_space<hbm>> -> memref<4x256xf32, #tpu.memory_space<hbm>>
      %dma_wait3A_33 = arith.constant 0 : i32
      %dma_wait3A_34 = tpu.memref_slice %arg2[%dma_wait3A_33, %mul3A_2] : memref<4x8192xf32, #tpu.memory_space<hbm>> -> memref<4x256xf32, #tpu.memory_space<hbm>>
      tpu.wait_dma2 semaphore(%run_scoped3A : memref<!tpu.dma_semaphore, #tpu.memory_space<semaphore_mem>>) src(%dma_wait3A_34 : memref<4x256xf32, #tpu.memory_space<hbm>>) dst(%arg5 : memref<4x256xf32, #tpu.memory_space<vmem>>)
      tpu.yield
    }) : () -> ()
    %iota3A = tpu.iota {dimensions = array<i32: 0>} : vector<16xi32>
    %jit3A = arith.constant 8 : i32
    %eq3A = arith.constant 0 : i32
    %eq3A_3 = arith.cmpi eq, %jit3A, %eq3A : i32
    %jit3A_4 = arith.constant 1 : i32
    %select_n3A = arith.select %eq3A_3, %jit3A_4, %jit3A : i32
    %rem3A = vector.broadcast %select_n3A : i32 to vector<16xi32>
    %rem3A_5 = arith.remsi %iota3A, %rem3A : vector<16xi32>
    %ne3A = arith.constant 0 : i32
    %ne3A_6 = vector.broadcast %ne3A : i32 to vector<16xi32>
    %ne3A_7 = arith.cmpi ne, %rem3A_5, %ne3A_6 : vector<16xi32>
    %lt3A = arith.constant 0 : i32
    %lt3A_8 = vector.broadcast %lt3A : i32 to vector<16xi32>
    %lt3A_9 = arith.cmpi slt, %rem3A_5, %lt3A_8 : vector<16xi32>
    %lt3A_10 = arith.constant 0 : i32
    %lt3A_11 = arith.cmpi slt, %select_n3A, %lt3A_10 : i32
    %ne3A_12 = vector.broadcast %lt3A_11 : i1 to vector<16xi1>
    %ne3A_13 = vector.broadcast %ne3A_12 : vector<16xi1> to vector<16xi1>
    %ne3A_14 = arith.xori %lt3A_9, %ne3A_13 : vector<16xi1>
    %and3A = arith.andi %ne3A_14, %ne3A_7 : vector<16xi1>
    %add3A_15 = vector.broadcast %select_n3A : i32 to vector<16xi32>
    %add3A_16 = arith.addi %rem3A_5, %add3A_15 : vector<16xi32>
    %select_n3A_17 = arith.select %and3A, %add3A_16, %rem3A_5 : vector<16xi1>, vector<16xi32>
    %ge3A = arith.constant 8 : i32
    %ge3A_18 = vector.broadcast %ge3A : i32 to vector<16xi32>
    %ge3A_19 = arith.cmpi sge, %iota3A, %ge3A_18 : vector<16xi32>
    %scan3A = arith.constant 0 : i32
    %scan3A_20 = arith.constant 0 : i32
    %scan3A_21 = arith.constant 16 : i32
    %scan3A_22 = arith.addi %scan3A_20, %scan3A_21 : i32
    %scan3A_23 = arith.constant 1 : i32
    scf.for %scan3A_29 = %scan3A_20 to %scan3A_22 step %scan3A_23  : i32 {
      %mul3A_30 = arith.constant 16 : i32
      %mul3A_31 = arith.muli %scan3A_29, %mul3A_30 : i32
      %get3A = arith.constant 0 : i32
      %get3A_32 = arith.index_cast %get3A : i32 to index
      %get3A_33 = arith.index_cast %mul3A_31 : i32 to index
      %get3A_34 = tpu.vector_load %arg5[%get3A_32, %get3A_33] {strides = array<i32>} : memref<4x256xf32, #tpu.memory_space<vmem>>, vector<1x16xf32>,
      %get3A_35 = vector.shape_cast %get3A_34 : vector<1x16xf32> to vector<16xf32>
      %mul3A_36 = arith.constant 16 : i32
      %mul3A_37 = arith.muli %scan3A_29, %mul3A_36 : i32
      %get3A_38 = arith.constant 1 : i32
      %get3A_39 = arith.index_cast %get3A_38 : i32 to index
      %get3A_40 = arith.index_cast %mul3A_37 : i32 to index
      %get3A_41 = tpu.vector_load %arg5[%get3A_39, %get3A_40] {strides = array<i32>} : memref<4x256xf32, #tpu.memory_space<vmem>>, vector<1x16xf32>,
      %get3A_42 = vector.shape_cast %get3A_41 : vector<1x16xf32> to vector<16xf32>
      %mul3A_43 = arith.constant 16 : i32
      %mul3A_44 = arith.muli %scan3A_29, %mul3A_43 : i32
      %get3A_45 = arith.constant 2 : i32
      %get3A_46 = arith.index_cast %get3A_45 : i32 to index
      %get3A_47 = arith.index_cast %mul3A_44 : i32 to index
      %get3A_48 = tpu.vector_load %arg5[%get3A_46, %get3A_47] {strides = array<i32>} : memref<4x256xf32, #tpu.memory_space<vmem>>, vector<1x16xf32>,
      %get3A_49 = vector.shape_cast %get3A_48 : vector<1x16xf32> to vector<16xf32>
      %mul3A_50 = arith.constant 16 : i32
      %mul3A_51 = arith.muli %scan3A_29, %mul3A_50 : i32
      %get3A_52 = arith.constant 3 : i32
      %get3A_53 = arith.index_cast %get3A_52 : i32 to index
      %get3A_54 = arith.index_cast %mul3A_51 : i32 to index
      %get3A_55 = tpu.vector_load %arg5[%get3A_53, %get3A_54] {strides = array<i32>} : memref<4x256xf32, #tpu.memory_space<vmem>>, vector<1x16xf32>,
      %get3A_56 = vector.shape_cast %get3A_55 : vector<1x16xf32> to vector<16xf32>
      %gt3A = arith.cmpf ogt, %get3A_42, %get3A_35 : vector<16xf32>
      %jit3A_57 = arith.constant 1 : i32
      %jit3A_58 = arith.constant 0 : i32
      %broadcast_in_dim3A = vector.broadcast %jit3A_57 : i32 to vector<16xi32>
      %broadcast_in_dim3A_59 = vector.broadcast %jit3A_58 : i32 to vector<16xi32>
      %select_n3A_60 = arith.select %gt3A, %broadcast_in_dim3A, %broadcast_in_dim3A_59 : vector<16xi1>, vector<16xi32>
      %max3A = arith.maximumf %get3A_35, %get3A_42 : vector<16xf32>
      %gt3A_61 = arith.cmpf ogt, %get3A_56, %get3A_49 : vector<16xf32>
      %jit3A_62 = arith.constant 3 : i32
      %jit3A_63 = arith.constant 2 : i32
      %broadcast_in_dim3A_64 = vector.broadcast %jit3A_62 : i32 to vector<16xi32>
      %broadcast_in_dim3A_65 = vector.broadcast %jit3A_63 : i32 to vector<16xi32>
      %select_n3A_66 = arith.select %gt3A_61, %broadcast_in_dim3A_64, %broadcast_in_dim3A_65 : vector<16xi1>, vector<16xi32>
      %max3A_67 = arith.maximumf %get3A_49, %get3A_56 : vector<16xf32>
      %gt3A_68 = arith.cmpf ogt, %max3A_67, %max3A : vector<16xf32>
      %select_n3A_69 = arith.select %gt3A_68, %select_n3A_66, %select_n3A_60 : vector<16xi1>, vector<16xi32>
      %jit3A_70 = arith.constant 8 : i32
      %eq3A_71 = arith.constant 0 : i32
      %eq3A_72 = arith.cmpi eq, %jit3A_70, %eq3A_71 : i32
      %jit3A_73 = arith.constant 1 : i32
      %select_n3A_74 = arith.select %eq3A_72, %jit3A_73, %jit3A_70 : i32
      %rem3A_75 = vector.broadcast %select_n3A_74 : i32 to vector<16xi32>
      %rem3A_76 = arith.remsi %select_n3A_69, %rem3A_75 : vector<16xi32>
      %ne3A_77 = arith.constant 0 : i32
      %ne3A_78 = vector.broadcast %ne3A_77 : i32 to vector<16xi32>
      %ne3A_79 = arith.cmpi ne, %rem3A_76, %ne3A_78 : vector<16xi32>
      %lt3A_80 = arith.constant 0 : i32
      %lt3A_81 = vector.broadcast %lt3A_80 : i32 to vector<16xi32>
      %lt3A_82 = arith.cmpi slt, %rem3A_76, %lt3A_81 : vector<16xi32>
      %lt3A_83 = arith.constant 0 : i32
      %lt3A_84 = arith.cmpi slt, %select_n3A_74, %lt3A_83 : i32
      %ne3A_85 = vector.broadcast %lt3A_84 : i1 to vector<16xi1>
      %ne3A_86 = vector.broadcast %ne3A_85 : vector<16xi1> to vector<16xi1>
      %ne3A_87 = arith.xori %lt3A_82, %ne3A_86 : vector<16xi1>
      %and3A_88 = arith.andi %ne3A_87, %ne3A_79 : vector<16xi1>
      %add3A_89 = vector.broadcast %select_n3A_74 : i32 to vector<16xi32>
      %add3A_90 = arith.addi %rem3A_76, %add3A_89 : vector<16xi32>
      %select_n3A_91 = arith.select %and3A_88, %add3A_90, %rem3A_76 : vector<16xi1>, vector<16xi32>
      %slice3A = vector.extract_strided_slice %select_n3A_91 {offsets = [0], sizes = [1], strides = [1]} : vector<16xi32> to vector<1xi32>
      %squeeze3A = vector.extract %slice3A[0] : i32 from vector<1xi32>
      %slice3A_92 = vector.extract_strided_slice %select_n3A_91 {offsets = [1], sizes = [1], strides = [1]} : vector<16xi32> to vector<1xi32>
      %squeeze3A_93 = vector.extract %slice3A_92[0] : i32 from vector<1xi32>
      %broadcast_in_dim3A_94 = vector.broadcast %squeeze3A_93 : i32 to vector<16xi32>
      %broadcast_in_dim3A_95 = vector.broadcast %squeeze3A : i32 to vector<16xi32>
      %select_n3A_96 = arith.select %ge3A_19, %broadcast_in_dim3A_94, %broadcast_in_dim3A_95 : vector<16xi1>, vector<16xi32>
      %eq3A_97 = arith.cmpi eq, %select_n3A_17, %select_n3A_96 : vector<16xi32>
      %jit3A_98 = arith.constant 1.000000e+00 : f32
      %jit3A_99 = arith.constant 9.99999993E-9 : f32
      %broadcast_in_dim3A_100 = vector.broadcast %jit3A_98 : f32 to vector<16xf32>
      %broadcast_in_dim3A_101 = vector.broadcast %jit3A_99 : f32 to vector<16xf32>
      %select_n3A_102 = arith.select %eq3A_97, %broadcast_in_dim3A_100, %broadcast_in_dim3A_101 : vector<16xi1>, vector<16xf32>
      %swap3A = arith.index_cast %scan3A_29 : i32 to index
      %swap3A_103 = arith.constant 0 : index
      %swap3A_104 = tpu.vector_load %arg6[%swap3A, %swap3A_103] {strides = array<i32>} : memref<16x128xf32, #tpu.memory_space<vmem>>, vector<1x16xf32>,
      %swap3A_105 = vector.shape_cast %swap3A_104 : vector<1x16xf32> to vector<16xf32>
      %swap3A_106 = vector.shape_cast %select_n3A_102 : vector<16xf32> to vector<1x16xf32>
      tpu.vector_store %arg6[%swap3A, %swap3A_103], %swap3A_106 {strides = array<i32>} : memref<16x128xf32, #tpu.memory_space<vmem>>, vector<1x16xf32>,
      %jit3A_107 = arith.constant 0.000000e+00 : f32
      %jit3A_108 = arith.constant -18.420681 : f32
      %broadcast_in_dim3A_109 = vector.broadcast %jit3A_107 : f32 to vector<16xf32>
      %broadcast_in_dim3A_110 = vector.broadcast %jit3A_108 : f32 to vector<16xf32>
      %select_n3A_111 = arith.select %eq3A_97, %broadcast_in_dim3A_109, %broadcast_in_dim3A_110 : vector<16xi1>, vector<16xf32>
      %swap3A_112 = arith.index_cast %scan3A_29 : i32 to index
      %swap3A_113 = arith.constant 0 : index
      %swap3A_114 = tpu.vector_load %arg7[%swap3A_112, %swap3A_113] {strides = array<i32>} : memref<16x128xf32, #tpu.memory_space<vmem>>, vector<1x16xf32>,
      %swap3A_115 = vector.shape_cast %swap3A_114 : vector<1x16xf32> to vector<16xf32>
      %swap3A_116 = vector.shape_cast %select_n3A_111 : vector<16xf32> to vector<1x16xf32>
      tpu.vector_store %arg7[%swap3A_112, %swap3A_113], %swap3A_116 {strides = array<i32>} : memref<16x128xf32, #tpu.memory_space<vmem>>, vector<1x16xf32>,
      %slice3A_117 = vector.extract_strided_slice %select_n3A_91 {offsets = [2], sizes = [1], strides = [1]} : vector<16xi32> to vector<1xi32>
      %squeeze3A_118 = vector.extract %slice3A_117[0] : i32 from vector<1xi32>
      %slice3A_119 = vector.extract_strided_slice %select_n3A_91 {offsets = [3], sizes = [1], strides = [1]} : vector<16xi32> to vector<1xi32>
      %squeeze3A_120 = vector.extract %slice3A_119[0] : i32 from vector<1xi32>
      %broadcast_in_dim3A_121 = vector.broadcast %squeeze3A_120 : i32 to vector<16xi32>
      %broadcast_in_dim3A_122 = vector.broadcast %squeeze3A_118 : i32 to vector<16xi32>
      %select_n3A_123 = arith.select %ge3A_19, %broadcast_in_dim3A_121, %broadcast_in_dim3A_122 : vector<16xi1>, vector<16xi32>
      %eq3A_124 = arith.cmpi eq, %select_n3A_17, %select_n3A_123 : vector<16xi32>
      %jit3A_125 = arith.constant 1.000000e+00 : f32
      %jit3A_126 = arith.constant 9.99999993E-9 : f32
      %broadcast_in_dim3A_127 = vector.broadcast %jit3A_125 : f32 to vector<16xf32>
      %broadcast_in_dim3A_128 = vector.broadcast %jit3A_126 : f32 to vector<16xf32>
      %select_n3A_129 = arith.select %eq3A_124, %broadcast_in_dim3A_127, %broadcast_in_dim3A_128 : vector<16xi1>, vector<16xf32>
      %swap3A_130 = arith.index_cast %scan3A_29 : i32 to index
      %swap3A_131 = arith.constant 16 : index
      %swap3A_132 = tpu.vector_load %arg6[%swap3A_130, %swap3A_131] {strides = array<i32>} : memref<16x128xf32, #tpu.memory_space<vmem>>, vector<1x16xf32>,
      %swap3A_133 = vector.shape_cast %swap3A_132 : vector<1x16xf32> to vector<16xf32>
      %swap3A_134 = vector.shape_cast %select_n3A_129 : vector<16xf32> to vector<1x16xf32>
      tpu.vector_store %arg6[%swap3A_130, %swap3A_131], %swap3A_134 {strides = array<i32>} : memref<16x128xf32, #tpu.memory_space<vmem>>, vector<1x16xf32>,
      %jit3A_135 = arith.constant 0.000000e+00 : f32
      %jit3A_136 = arith.constant -18.420681 : f32
      %broadcast_in_dim3A_137 = vector.broadcast %jit3A_135 : f32 to vector<16xf32>
      %broadcast_in_dim3A_138 = vector.broadcast %jit3A_136 : f32 to vector<16xf32>
      %select_n3A_139 = arith.select %eq3A_124, %broadcast_in_dim3A_137, %broadcast_in_dim3A_138 : vector<16xi1>, vector<16xf32>
      %swap3A_140 = arith.index_cast %scan3A_29 : i32 to index
      %swap3A_141 = arith.constant 16 : index
      %swap3A_142 = tpu.vector_load %arg7[%swap3A_140, %swap3A_141] {strides = array<i32>} : memref<16x128xf32, #tpu.memory_space<vmem>>, vector<1x16xf32>,
      %swap3A_143 = vector.shape_cast %swap3A_142 : vector<1x16xf32> to vector<16xf32>
      %swap3A_144 = vector.shape_cast %select_n3A_139 : vector<16xf32> to vector<1x16xf32>
      tpu.vector_store %arg7[%swap3A_140, %swap3A_141], %swap3A_144 {strides = array<i32>} : memref<16x128xf32, #tpu.memory_space<vmem>>, vector<1x16xf32>,
      %slice3A_145 = vector.extract_strided_slice %select_n3A_91 {offsets = [4], sizes = [1], strides = [1]} : vector<16xi32> to vector<1xi32>
      %squeeze3A_146 = vector.extract %slice3A_145[0] : i32 from vector<1xi32>
      %slice3A_147 = vector.extract_strided_slice %select_n3A_91 {offsets = [5], sizes = [1], strides = [1]} : vector<16xi32> to vector<1xi32>
      %squeeze3A_148 = vector.extract %slice3A_147[0] : i32 from vector<1xi32>
      %broadcast_in_dim3A_149 = vector.broadcast %squeeze3A_148 : i32 to vector<16xi32>
      %broadcast_in_dim3A_150 = vector.broadcast %squeeze3A_146 : i32 to vector<16xi32>
      %select_n3A_151 = arith.select %ge3A_19, %broadcast_in_dim3A_149, %broadcast_in_dim3A_150 : vector<16xi1>, vector<16xi32>
      %eq3A_152 = arith.cmpi eq, %select_n3A_17, %select_n3A_151 : vector<16xi32>
      %jit3A_153 = arith.constant 1.000000e+00 : f32
      %jit3A_154 = arith.constant 9.99999993E-9 : f32
      %broadcast_in_dim3A_155 = vector.broadcast %jit3A_153 : f32 to vector<16xf32>
      %broadcast_in_dim3A_156 = vector.broadcast %jit3A_154 : f32 to vector<16xf32>
      %select_n3A_157 = arith.select %eq3A_152, %broadcast_in_dim3A_155, %broadcast_in_dim3A_156 : vector<16xi1>, vector<16xf32>
      %swap3A_158 = arith.index_cast %scan3A_29 : i32 to index
      %swap3A_159 = arith.constant 32 : index
      %swap3A_160 = tpu.vector_load %arg6[%swap3A_158, %swap3A_159] {strides = array<i32>} : memref<16x128xf32, #tpu.memory_space<vmem>>, vector<1x16xf32>,
      %swap3A_161 = vector.shape_cast %swap3A_160 : vector<1x16xf32> to vector<16xf32>
      %swap3A_162 = vector.shape_cast %select_n3A_157 : vector<16xf32> to vector<1x16xf32>
      tpu.vector_store %arg6[%swap3A_158, %swap3A_159], %swap3A_162 {strides = array<i32>} : memref<16x128xf32, #tpu.memory_space<vmem>>, vector<1x16xf32>,
      %jit3A_163 = arith.constant 0.000000e+00 : f32
      %jit3A_164 = arith.constant -18.420681 : f32
      %broadcast_in_dim3A_165 = vector.broadcast %jit3A_163 : f32 to vector<16xf32>
      %broadcast_in_dim3A_166 = vector.broadcast %jit3A_164 : f32 to vector<16xf32>
      %select_n3A_167 = arith.select %eq3A_152, %broadcast_in_dim3A_165, %broadcast_in_dim3A_166 : vector<16xi1>, vector<16xf32>
      %swap3A_168 = arith.index_cast %scan3A_29 : i32 to index
      %swap3A_169 = arith.constant 32 : index
      %swap3A_170 = tpu.vector_load %arg7[%swap3A_168, %swap3A_169] {strides = array<i32>} : memref<16x128xf32, #tpu.memory_space<vmem>>, vector<1x16xf32>,
      %swap3A_171 = vector.shape_cast %swap3A_170 : vector<1x16xf32> to vector<16xf32>
      %swap3A_172 = vector.shape_cast %select_n3A_167 : vector<16xf32> to vector<1x16xf32>
      tpu.vector_store %arg7[%swap3A_168, %swap3A_169], %swap3A_172 {strides = array<i32>} : memref<16x128xf32, #tpu.memory_space<vmem>>, vector<1x16xf32>,
      %slice3A_173 = vector.extract_strided_slice %select_n3A_91 {offsets = [6], sizes = [1], strides = [1]} : vector<16xi32> to vector<1xi32>
      %squeeze3A_174 = vector.extract %slice3A_173[0] : i32 from vector<1xi32>
      %slice3A_175 = vector.extract_strided_slice %select_n3A_91 {offsets = [7], sizes = [1], strides = [1]} : vector<16xi32> to vector<1xi32>
      %squeeze3A_176 = vector.extract %slice3A_175[0] : i32 from vector<1xi32>
      %broadcast_in_dim3A_177 = vector.broadcast %squeeze3A_176 : i32 to vector<16xi32>
      %broadcast_in_dim3A_178 = vector.broadcast %squeeze3A_174 : i32 to vector<16xi32>
      %select_n3A_179 = arith.select %ge3A_19, %broadcast_in_dim3A_177, %broadcast_in_dim3A_178 : vector<16xi1>, vector<16xi32>
      %eq3A_180 = arith.cmpi eq, %select_n3A_17, %select_n3A_179 : vector<16xi32>
      %jit3A_181 = arith.constant 1.000000e+00 : f32
      %jit3A_182 = arith.constant 9.99999993E-9 : f32
      %broadcast_in_dim3A_183 = vector.broadcast %jit3A_181 : f32 to vector<16xf32>
      %broadcast_in_dim3A_184 = vector.broadcast %jit3A_182 : f32 to vector<16xf32>
      %select_n3A_185 = arith.select %eq3A_180, %broadcast_in_dim3A_183, %broadcast_in_dim3A_184 : vector<16xi1>, vector<16xf32>
      %swap3A_186 = arith.index_cast %scan3A_29 : i32 to index
      %swap3A_187 = arith.constant 48 : index
      %swap3A_188 = tpu.vector_load %arg6[%swap3A_186, %swap3A_187] {strides = array<i32>} : memref<16x128xf32, #tpu.memory_space<vmem>>, vector<1x16xf32>,
      %swap3A_189 = vector.shape_cast %swap3A_188 : vector<1x16xf32> to vector<16xf32>
      %swap3A_190 = vector.shape_cast %select_n3A_185 : vector<16xf32> to vector<1x16xf32>
      tpu.vector_store %arg6[%swap3A_186, %swap3A_187], %swap3A_190 {strides = array<i32>} : memref<16x128xf32, #tpu.memory_space<vmem>>, vector<1x16xf32>,
      %jit3A_191 = arith.constant 0.000000e+00 : f32
      %jit3A_192 = arith.constant -18.420681 : f32
      %broadcast_in_dim3A_193 = vector.broadcast %jit3A_191 : f32 to vector<16xf32>
      %broadcast_in_dim3A_194 = vector.broadcast %jit3A_192 : f32 to vector<16xf32>
      %select_n3A_195 = arith.select %eq3A_180, %broadcast_in_dim3A_193, %broadcast_in_dim3A_194 : vector<16xi1>, vector<16xf32>
      %swap3A_196 = arith.index_cast %scan3A_29 : i32 to index
      %swap3A_197 = arith.constant 48 : index
      %swap3A_198 = tpu.vector_load %arg7[%swap3A_196, %swap3A_197] {strides = array<i32>} : memref<16x128xf32, #tpu.memory_space<vmem>>, vector<1x16xf32>,
      %swap3A_199 = vector.shape_cast %swap3A_198 : vector<1x16xf32> to vector<16xf32>
      %swap3A_200 = vector.shape_cast %select_n3A_195 : vector<16xf32> to vector<1x16xf32>
      tpu.vector_store %arg7[%swap3A_196, %swap3A_197], %swap3A_200 {strides = array<i32>} : memref<16x128xf32, #tpu.memory_space<vmem>>, vector<1x16xf32>,
      %slice3A_201 = vector.extract_strided_slice %select_n3A_91 {offsets = [8], sizes = [1], strides = [1]} : vector<16xi32> to vector<1xi32>
      %squeeze3A_202 = vector.extract %slice3A_201[0] : i32 from vector<1xi32>
      %slice3A_203 = vector.extract_strided_slice %select_n3A_91 {offsets = [9], sizes = [1], strides = [1]} : vector<16xi32> to vector<1xi32>
      %squeeze3A_204 = vector.extract %slice3A_203[0] : i32 from vector<1xi32>
      %broadcast_in_dim3A_205 = vector.broadcast %squeeze3A_204 : i32 to vector<16xi32>
      %broadcast_in_dim3A_206 = vector.broadcast %squeeze3A_202 : i32 to vector<16xi32>
      %select_n3A_207 = arith.select %ge3A_19, %broadcast_in_dim3A_205, %broadcast_in_dim3A_206 : vector<16xi1>, vector<16xi32>
      %eq3A_208 = arith.cmpi eq, %select_n3A_17, %select_n3A_207 : vector<16xi32>
      %jit3A_209 = arith.constant 1.000000e+00 : f32
      %jit3A_210 = arith.constant 9.99999993E-9 : f32
      %broadcast_in_dim3A_211 = vector.broadcast %jit3A_209 : f32 to vector<16xf32>
      %broadcast_in_dim3A_212 = vector.broadcast %jit3A_210 : f32 to vector<16xf32>
      %select_n3A_213 = arith.select %eq3A_208, %broadcast_in_dim3A_211, %broadcast_in_dim3A_212 : vector<16xi1>, vector<16xf32>
      %swap3A_214 = arith.index_cast %scan3A_29 : i32 to index
      %swap3A_215 = arith.constant 64 : index
      %swap3A_216 = tpu.vector_load %arg6[%swap3A_214, %swap3A_215] {strides = array<i32>} : memref<16x128xf32, #tpu.memory_space<vmem>>, vector<1x16xf32>,
      %swap3A_217 = vector.shape_cast %swap3A_216 : vector<1x16xf32> to vector<16xf32>
      %swap3A_218 = vector.shape_cast %select_n3A_213 : vector<16xf32> to vector<1x16xf32>
      tpu.vector_store %arg6[%swap3A_214, %swap3A_215], %swap3A_218 {strides = array<i32>} : memref<16x128xf32, #tpu.memory_space<vmem>>, vector<1x16xf32>,
      %jit3A_219 = arith.constant 0.000000e+00 : f32
      %jit3A_220 = arith.constant -18.420681 : f32
      %broadcast_in_dim3A_221 = vector.broadcast %jit3A_219 : f32 to vector<16xf32>
      %broadcast_in_dim3A_222 = vector.broadcast %jit3A_220 : f32 to vector<16xf32>
      %select_n3A_223 = arith.select %eq3A_208, %broadcast_in_dim3A_221, %broadcast_in_dim3A_222 : vector<16xi1>, vector<16xf32>
      %swap3A_224 = arith.index_cast %scan3A_29 : i32 to index
      %swap3A_225 = arith.constant 64 : index
      %swap3A_226 = tpu.vector_load %arg7[%swap3A_224, %swap3A_225] {strides = array<i32>} : memref<16x128xf32, #tpu.memory_space<vmem>>, vector<1x16xf32>,
      %swap3A_227 = vector.shape_cast %swap3A_226 : vector<1x16xf32> to vector<16xf32>
      %swap3A_228 = vector.shape_cast %select_n3A_223 : vector<16xf32> to vector<1x16xf32>
      tpu.vector_store %arg7[%swap3A_224, %swap3A_225], %swap3A_228 {strides = array<i32>} : memref<16x128xf32, #tpu.memory_space<vmem>>, vector<1x16xf32>,
      %slice3A_229 = vector.extract_strided_slice %select_n3A_91 {offsets = [10], sizes = [1], strides = [1]} : vector<16xi32> to vector<1xi32>
      %squeeze3A_230 = vector.extract %slice3A_229[0] : i32 from vector<1xi32>
      %slice3A_231 = vector.extract_strided_slice %select_n3A_91 {offsets = [11], sizes = [1], strides = [1]} : vector<16xi32> to vector<1xi32>
      %squeeze3A_232 = vector.extract %slice3A_231[0] : i32 from vector<1xi32>
      %broadcast_in_dim3A_233 = vector.broadcast %squeeze3A_232 : i32 to vector<16xi32>
      %broadcast_in_dim3A_234 = vector.broadcast %squeeze3A_230 : i32 to vector<16xi32>
      %select_n3A_235 = arith.select %ge3A_19, %broadcast_in_dim3A_233, %broadcast_in_dim3A_234 : vector<16xi1>, vector<16xi32>
      %eq3A_236 = arith.cmpi eq, %select_n3A_17, %select_n3A_235 : vector<16xi32>
      %jit3A_237 = arith.constant 1.000000e+00 : f32
      %jit3A_238 = arith.constant 9.99999993E-9 : f32
      %broadcast_in_dim3A_239 = vector.broadcast %jit3A_237 : f32 to vector<16xf32>
      %broadcast_in_dim3A_240 = vector.broadcast %jit3A_238 : f32 to vector<16xf32>
      %select_n3A_241 = arith.select %eq3A_236, %broadcast_in_dim3A_239, %broadcast_in_dim3A_240 : vector<16xi1>, vector<16xf32>
      %swap3A_242 = arith.index_cast %scan3A_29 : i32 to index
      %swap3A_243 = arith.constant 80 : index
      %swap3A_244 = tpu.vector_load %arg6[%swap3A_242, %swap3A_243] {strides = array<i32>} : memref<16x128xf32, #tpu.memory_space<vmem>>, vector<1x16xf32>,
      %swap3A_245 = vector.shape_cast %swap3A_244 : vector<1x16xf32> to vector<16xf32>
      %swap3A_246 = vector.shape_cast %select_n3A_241 : vector<16xf32> to vector<1x16xf32>
      tpu.vector_store %arg6[%swap3A_242, %swap3A_243], %swap3A_246 {strides = array<i32>} : memref<16x128xf32, #tpu.memory_space<vmem>>, vector<1x16xf32>,
      %jit3A_247 = arith.constant 0.000000e+00 : f32
      %jit3A_248 = arith.constant -18.420681 : f32
      %broadcast_in_dim3A_249 = vector.broadcast %jit3A_247 : f32 to vector<16xf32>
      %broadcast_in_dim3A_250 = vector.broadcast %jit3A_248 : f32 to vector<16xf32>
      %select_n3A_251 = arith.select %eq3A_236, %broadcast_in_dim3A_249, %broadcast_in_dim3A_250 : vector<16xi1>, vector<16xf32>
      %swap3A_252 = arith.index_cast %scan3A_29 : i32 to index
      %swap3A_253 = arith.constant 80 : index
      %swap3A_254 = tpu.vector_load %arg7[%swap3A_252, %swap3A_253] {strides = array<i32>} : memref<16x128xf32, #tpu.memory_space<vmem>>, vector<1x16xf32>,
      %swap3A_255 = vector.shape_cast %swap3A_254 : vector<1x16xf32> to vector<16xf32>
      %swap3A_256 = vector.shape_cast %select_n3A_251 : vector<16xf32> to vector<1x16xf32>
      tpu.vector_store %arg7[%swap3A_252, %swap3A_253], %swap3A_256 {strides = array<i32>} : memref<16x128xf32, #tpu.memory_space<vmem>>, vector<1x16xf32>,
      %slice3A_257 = vector.extract_strided_slice %select_n3A_91 {offsets = [12], sizes = [1], strides = [1]} : vector<16xi32> to vector<1xi32>
      %squeeze3A_258 = vector.extract %slice3A_257[0] : i32 from vector<1xi32>
      %slice3A_259 = vector.extract_strided_slice %select_n3A_91 {offsets = [13], sizes = [1], strides = [1]} : vector<16xi32> to vector<1xi32>
      %squeeze3A_260 = vector.extract %slice3A_259[0] : i32 from vector<1xi32>
      %broadcast_in_dim3A_261 = vector.broadcast %squeeze3A_260 : i32 to vector<16xi32>
      %broadcast_in_dim3A_262 = vector.broadcast %squeeze3A_258 : i32 to vector<16xi32>
      %select_n3A_263 = arith.select %ge3A_19, %broadcast_in_dim3A_261, %broadcast_in_dim3A_262 : vector<16xi1>, vector<16xi32>
      %eq3A_264 = arith.cmpi eq, %select_n3A_17, %select_n3A_263 : vector<16xi32>
      %jit3A_265 = arith.constant 1.000000e+00 : f32
      %jit3A_266 = arith.constant 9.99999993E-9 : f32
      %broadcast_in_dim3A_267 = vector.broadcast %jit3A_265 : f32 to vector<16xf32>
      %broadcast_in_dim3A_268 = vector.broadcast %jit3A_266 : f32 to vector<16xf32>
      %select_n3A_269 = arith.select %eq3A_264, %broadcast_in_dim3A_267, %broadcast_in_dim3A_268 : vector<16xi1>, vector<16xf32>
      %swap3A_270 = arith.index_cast %scan3A_29 : i32 to index
      %swap3A_271 = arith.constant 96 : index
      %swap3A_272 = tpu.vector_load %arg6[%swap3A_270, %swap3A_271] {strides = array<i32>} : memref<16x128xf32, #tpu.memory_space<vmem>>, vector<1x16xf32>,
      %swap3A_273 = vector.shape_cast %swap3A_272 : vector<1x16xf32> to vector<16xf32>
      %swap3A_274 = vector.shape_cast %select_n3A_269 : vector<16xf32> to vector<1x16xf32>
      tpu.vector_store %arg6[%swap3A_270, %swap3A_271], %swap3A_274 {strides = array<i32>} : memref<16x128xf32, #tpu.memory_space<vmem>>, vector<1x16xf32>,
      %jit3A_275 = arith.constant 0.000000e+00 : f32
      %jit3A_276 = arith.constant -18.420681 : f32
      %broadcast_in_dim3A_277 = vector.broadcast %jit3A_275 : f32 to vector<16xf32>
      %broadcast_in_dim3A_278 = vector.broadcast %jit3A_276 : f32 to vector<16xf32>
      %select_n3A_279 = arith.select %eq3A_264, %broadcast_in_dim3A_277, %broadcast_in_dim3A_278 : vector<16xi1>, vector<16xf32>
      %swap3A_280 = arith.index_cast %scan3A_29 : i32 to index
      %swap3A_281 = arith.constant 96 : index
      %swap3A_282 = tpu.vector_load %arg7[%swap3A_280, %swap3A_281] {strides = array<i32>} : memref<16x128xf32, #tpu.memory_space<vmem>>, vector<1x16xf32>,
      %swap3A_283 = vector.shape_cast %swap3A_282 : vector<1x16xf32> to vector<16xf32>
      %swap3A_284 = vector.shape_cast %select_n3A_279 : vector<16xf32> to vector<1x16xf32>
      tpu.vector_store %arg7[%swap3A_280, %swap3A_281], %swap3A_284 {strides = array<i32>} : memref<16x128xf32, #tpu.memory_space<vmem>>, vector<1x16xf32>,
      %slice3A_285 = vector.extract_strided_slice %select_n3A_91 {offsets = [14], sizes = [1], strides = [1]} : vector<16xi32> to vector<1xi32>
      %squeeze3A_286 = vector.extract %slice3A_285[0] : i32 from vector<1xi32>
      %slice3A_287 = vector.extract_strided_slice %select_n3A_91 {offsets = [15], sizes = [1], strides = [1]} : vector<16xi32> to vector<1xi32>
      %squeeze3A_288 = vector.extract %slice3A_287[0] : i32 from vector<1xi32>
      %broadcast_in_dim3A_289 = vector.broadcast %squeeze3A_288 : i32 to vector<16xi32>
      %broadcast_in_dim3A_290 = vector.broadcast %squeeze3A_286 : i32 to vector<16xi32>
      %select_n3A_291 = arith.select %ge3A_19, %broadcast_in_dim3A_289, %broadcast_in_dim3A_290 : vector<16xi1>, vector<16xi32>
      %eq3A_292 = arith.cmpi eq, %select_n3A_17, %select_n3A_291 : vector<16xi32>
      %jit3A_293 = arith.constant 1.000000e+00 : f32
      %jit3A_294 = arith.constant 9.99999993E-9 : f32
      %broadcast_in_dim3A_295 = vector.broadcast %jit3A_293 : f32 to vector<16xf32>
      %broadcast_in_dim3A_296 = vector.broadcast %jit3A_294 : f32 to vector<16xf32>
      %select_n3A_297 = arith.select %eq3A_292, %broadcast_in_dim3A_295, %broadcast_in_dim3A_296 : vector<16xi1>, vector<16xf32>
      %swap3A_298 = arith.index_cast %scan3A_29 : i32 to index
      %swap3A_299 = arith.constant 112 : index
      %swap3A_300 = tpu.vector_load %arg6[%swap3A_298, %swap3A_299] {strides = array<i32>} : memref<16x128xf32, #tpu.memory_space<vmem>>, vector<1x16xf32>,
      %swap3A_301 = vector.shape_cast %swap3A_300 : vector<1x16xf32> to vector<16xf32>
      %swap3A_302 = vector.shape_cast %select_n3A_297 : vector<16xf32> to vector<1x16xf32>
      tpu.vector_store %arg6[%swap3A_298, %swap3A_299], %swap3A_302 {strides = array<i32>} : memref<16x128xf32, #tpu.memory_space<vmem>>, vector<1x16xf32>,
      %jit3A_303 = arith.constant 0.000000e+00 : f32
      %jit3A_304 = arith.constant -18.420681 : f32
      %broadcast_in_dim3A_305 = vector.broadcast %jit3A_303 : f32 to vector<16xf32>
      %broadcast_in_dim3A_306 = vector.broadcast %jit3A_304 : f32 to vector<16xf32>
      %select_n3A_307 = arith.select %eq3A_292, %broadcast_in_dim3A_305, %broadcast_in_dim3A_306 : vector<16xi1>, vector<16xf32>
      %swap3A_308 = arith.index_cast %scan3A_29 : i32 to index
      %swap3A_309 = arith.constant 112 : index
      %swap3A_310 = tpu.vector_load %arg7[%swap3A_308, %swap3A_309] {strides = array<i32>} : memref<16x128xf32, #tpu.memory_space<vmem>>, vector<1x16xf32>,
      %swap3A_311 = vector.shape_cast %swap3A_310 : vector<1x16xf32> to vector<16xf32>
      %swap3A_312 = vector.shape_cast %select_n3A_307 : vector<16xf32> to vector<1x16xf32>
      tpu.vector_store %arg7[%swap3A_308, %swap3A_309], %swap3A_312 {strides = array<i32>} : memref<16x128xf32, #tpu.memory_space<vmem>>, vector<1x16xf32>,
    }
    %scan3A_24 = arith.constant 16 : i32
    %mul3A_25 = arith.constant 16 : i32
    %mul3A_26 = arith.muli %add3A, %mul3A_25 : i32
    "tpu.region"() ({
      %run_scoped3A = tpu.sem_alloc : memref<!tpu.dma_semaphore, #tpu.memory_space<semaphore_mem>>
      %dma_start3A = arith.constant 0 : i32
      %dma_start3A_29 = tpu.memref_slice %arg3[%mul3A_26, %dma_start3A] : memref<512x128xf32, #tpu.memory_space<hbm>> -> memref<16x128xf32, #tpu.memory_space<hbm>>
      %dma_start3A_30 = arith.constant 0 : i32
      %dma_start3A_31 = tpu.memref_slice %arg3[%mul3A_26, %dma_start3A_30] : memref<512x128xf32, #tpu.memory_space<hbm>> -> memref<16x128xf32, #tpu.memory_space<hbm>>
      tpu.enqueue_dma source(%arg6 : memref<16x128xf32, #tpu.memory_space<vmem>>) target(%dma_start3A_31 : memref<16x128xf32, #tpu.memory_space<hbm>>) target_semaphore(%run_scoped3A : memref<!tpu.dma_semaphore, #tpu.memory_space<semaphore_mem>>)
      %dma_wait3A = arith.constant 0 : i32
      %dma_wait3A_32 = tpu.memref_slice %arg3[%mul3A_26, %dma_wait3A] : memref<512x128xf32, #tpu.memory_space<hbm>> -> memref<16x128xf32, #tpu.memory_space<hbm>>
      %dma_wait3A_33 = arith.constant 0 : i32
      %dma_wait3A_34 = tpu.memref_slice %arg3[%mul3A_26, %dma_wait3A_33] : memref<512x128xf32, #tpu.memory_space<hbm>> -> memref<16x128xf32, #tpu.memory_space<hbm>>
      tpu.wait_dma2 semaphore(%run_scoped3A : memref<!tpu.dma_semaphore, #tpu.memory_space<semaphore_mem>>) src(%arg6 : memref<16x128xf32, #tpu.memory_space<vmem>>) dst(%dma_wait3A_34 : memref<16x128xf32, #tpu.memory_space<hbm>>)
      tpu.yield
    }) : () -> ()
    %mul3A_27 = arith.constant 16 : i32
    %mul3A_28 = arith.muli %add3A, %mul3A_27 : i32
    "tpu.region"() ({
      %run_scoped3A = tpu.sem_alloc : memref<!tpu.dma_semaphore, #tpu.memory_space<semaphore_mem>>
      %dma_start3A = arith.constant 0 : i32
      %dma_start3A_29 = tpu.memref_slice %arg4[%mul3A_28, %dma_start3A] : memref<512x128xf32, #tpu.memory_space<hbm>> -> memref<16x128xf32, #tpu.memory_space<hbm>>
      %dma_start3A_30 = arith.constant 0 : i32
      %dma_start3A_31 = tpu.memref_slice %arg4[%mul3A_28, %dma_start3A_30] : memref<512x128xf32, #tpu.memory_space<hbm>> -> memref<16x128xf32, #tpu.memory_space<hbm>>
      tpu.enqueue_dma source(%arg7 : memref<16x128xf32, #tpu.memory_space<vmem>>) target(%dma_start3A_31 : memref<16x128xf32, #tpu.memory_space<hbm>>) target_semaphore(%run_scoped3A : memref<!tpu.dma_semaphore, #tpu.memory_space<semaphore_mem>>)
      %dma_wait3A = arith.constant 0 : i32
      %dma_wait3A_32 = tpu.memref_slice %arg4[%mul3A_28, %dma_wait3A] : memref<512x128xf32, #tpu.memory_space<hbm>> -> memref<16x128xf32, #tpu.memory_space<hbm>>
      %dma_wait3A_33 = arith.constant 0 : i32
      %dma_wait3A_34 = tpu.memref_slice %arg4[%mul3A_28, %dma_wait3A_33] : memref<512x128xf32, #tpu.memory_space<hbm>> -> memref<16x128xf32, #tpu.memory_space<hbm>>
      tpu.wait_dma2 semaphore(%run_scoped3A : memref<!tpu.dma_semaphore, #tpu.memory_space<semaphore_mem>>) src(%arg7 : memref<16x128xf32, #tpu.memory_space<vmem>>) dst(%dma_wait3A_34 : memref<16x128xf32, #tpu.memory_space<hbm>>)
      tpu.yield
    }) : () -> ()
    return
  }
}

module attributes {stable_mosaic.version = 14 : i64} {
  func.func @_tc_body(%arg0: i32, %arg1: memref<1024x2048xf32, #tpu.memory_space<vmem>>, %arg2: memref<4x2048xf32, #tpu.memory_space<vmem>>, %arg3: memref<4x1024xf32, #tpu.memory_space<vmem>>) attributes {dimension_semantics = [#tpu.dimension_semantics<parallel>], iteration_bounds = array<i64: 8>, scalar_prefetch = 0 : i64, scratch_operands = 0 : i64, tpu.core_type = #tpu.core_type<tc>, window_params = [{transform_indices = @transform_0, window_bounds = array<i64: 1024, 2048>}, {pipeline_mode = #tpu.pipeline_mode<synchronous>, transform_indices = @transform_1, window_bounds = array<i64: 4, 2048>}, {transform_indices = @transform_2, window_bounds = array<i64: 4, 1024>}]} {
    %get3A = arith.constant 0 : index
    %get3A_0 = arith.constant 0 : index
    %get3A_1 = vector.load %arg1[%get3A, %get3A_0] : memref<1024x2048xf32, #tpu.memory_space<vmem>>, vector<1024x2048xf32>
    %get3A_2 = arith.constant 0 : index
    %get3A_3 = arith.constant 0 : index
    %get3A_4 = vector.load %arg2[%get3A_2, %get3A_3] : memref<4x2048xf32, #tpu.memory_space<vmem>>, vector<4x2048xf32>
    %dot_general3A = arith.constant dense<0.000000e+00> : vector<4x1024xf32>
    %dot_general3A_5 = tpu.matmul %get3A_4, %get3A_1, %dot_general3A {dimension_numbers = #tpu.dot_dimension_numbers<[1], [1], [0], [0], [0, 0, 1, 0], [], []>, transpose_lhs_hint = false} : vector<4x2048xf32>, vector<1024x2048xf32>, vector<4x1024xf32> -> vector<4x1024xf32>
    %swap3A = arith.constant 0 : index
    %swap3A_6 = arith.constant 0 : index
    %swap3A_7 = vector.load %arg3[%swap3A, %swap3A_6] : memref<4x1024xf32, #tpu.memory_space<vmem>>, vector<4x1024xf32>
    tpu.vector_store %arg3[%swap3A, %swap3A_6], %dot_general3A_5 {strides = array<i32>} : memref<4x1024xf32, #tpu.memory_space<vmem>>, vector<4x1024xf32>,
    return
  }
  func.func @transform_0(%arg0: i32) -> (i32, i32) {
    %c0_i32 = arith.constant 0 : i32
    %c0_i32_0 = arith.constant 0 : i32
    return %arg0, %c0_i32 : i32, i32
  }
  func.func @transform_1(%arg0: i32) -> (i32, i32) {
    %c0_i32 = arith.constant 0 : i32
    %c0_i32_0 = arith.constant 0 : i32
    %c0_i32_1 = arith.constant 0 : i32
    return %c0_i32, %c0_i32_0 : i32, i32
  }
  func.func @transform_2(%arg0: i32) -> (i32, i32) {
    %c0_i32 = arith.constant 0 : i32
    %c0_i32_0 = arith.constant 0 : i32
    return %c0_i32, %arg0 : i32, i32
  }
}

</mosaic_0001>

<sc_bundles>
// kernel: kernel.4.cloned.1.call-start
scs
__scs_entry_jumppad:
0x0: {  	(pc) =	sbr.rel $0x88, $3  }
0x1: {  	(tag) =	ssettag $0x0;
	lr =	simm.s32 $0x1  }
0x2: {  	[smem:$0x3F9F] =	sst lr;
	_ =	strace $0xD0000000  }
0x3: {  	_ = 	snop  }
0x4: {  	_ = 	snop  }
0x5: {  	_ = 	snop  }
0x6: {  	_ = 	snop  }
0x7: {  	_ = 	snop  }
__scs_overlays_trampoline_lowered:
0x8: {  	[smem:$0x3FAE] =	sst s0  }
0x9: {  	[smem:$0x3FAF] =	sst s1  }
0xa: {  	[smem:$0x3FB0] =	sst s2  }
0xb: {  	[smem:$0x3FB1] =	sst s3  }
0xc: {  	[smem:$0x3FB2] =	sst s4  }
0xd: {  	[smem:$0x3FB3] =	sst s5  }
0xe: {  	[smem:$0x3FB4] =	sst s6  }
0xf: {  	[smem:$0x3FB5] =	sst s7  }
0x10: {  	[smem:$0x3FB6] =	sst s8  }
0x11: {  	[smem:$0x3FB7] =	sst s9;
	s0 =	simm.s32 @!p0 $0x0  }
0x12: {  	s1 =	sld [smem:$0x3F9D];
	s0 =	simm.s32 @p0 $0x1  }
0x13: {  	[smem:$0x3FB8] =	sst s0;
	s0 =	simm.s32 @!p1 $0x0  }
0x14: {  	s2 =	sld [smem:$0x3F9C];
	s0 =	simm.s32 @p1 $0x1  }
0x15: {  	[smem:$0x3FB9] =	sst s0;
	s0 =	simm.s32 @!p2 $0x0  }
0x16: {  	s3 =	sld [smem:$0x3FDB];
	s0 =	simm.s32 @p2 $0x1  }
0x17: {  	s4 =	simm.s32 $0x1BF5;
	[smem:$0x3FBB] =	sst s0  }
0x18: {  	s0 =	sld [smem:$0x3F9E];
	_ =	swait.ge [sflag:s4], $0x0  }
0x19: {  	s7 =	sld [smem:$0x3F9F]  }
0x1a: {  	s8 =	sadd.s32 $0xFFFFE003, lr  }
0x1b: {  	s9 =	sadd.s32 $0xFFFFFEF7, lr;
	s5 =	simm.s32 $0xFFFFFFFF;
	p2 =	slt.u32 s8, $0xFFFFF086  }
0x1c: {  	p1 =	slt.u32 s9, $0xF7A;
	s5 =	simm.s32 @!p2 $0x0  }
0x1d: {  	s5 =	simm.s32 @p1 $0x1;
	p0 =	seq.s32 s7, s2  }
0x1e: {  	s7 =	smul.u32 @!p0 $0xF7A, s2;
	p2 =	seq.s32 @!p0 s5, $0x0  }
0x1f: {  	s9 =	smul.u32 $0xF7A, s1;
	s8 =	simm.s32 @!p0 $0x1BF5;
	p2 =	por !p2, p0  }
0x20: {  	[sflag:s8] =	ssyncset.s32 @!p0 $0xFFFFF086;
	s6 =	sadd.s32 @!p0 s3, s7;
	s7 =	simm.s32 @!p0 $0x108  }
0x21: {  	s3 =	sadd.s32 s3, s9;
	s6 =	sadd.s32 @!p0 $0x88, s6;
	s7 =	simm.s32 @p2 $0x1082  }
0x22: {  	[simem:s7], [sflag:s8] =	dma.local @!p0 [hbm:s6], $0xF7A  }
0x23: {  	s9 =	sor.u32 $0xD0000000, s2;
	s6 =	simm.s32 $0x108;
	_ =	swait.ge @!p0 [sflag:s8], $0x0  }
0x24: {  	s3 =	sadd.s32 $0x88, s3;
	s6 =	simm.s32 @!p1 $0x1082;
	[sflag:s4] =	ssyncset.s32 $0xFFFFF086  }
0x25: {  	[simem:s6], [sflag:s4] =	dma.local [hbm:s3], $0xF7A  }
0x26: {  	[smem:$0x3F9F] =	sst s1;
	(tag) =	ssettag s2;
	_ =	strace s9  }
0x27: {  	s1 =	sld [smem:$0x3FAF]  }
0x28: {  	s2 =	sld [smem:$0x3FB0]  }
0x29: {  	s4 =	sld [smem:$0x3FB2]  }
0x2a: {  	p0 =	seq.s32 s5, $0x0;
	s5 =	sld [smem:$0x3FB3]  }
0x2b: {  	s6 =	sld [smem:$0x3FB4]  }
0x2c: {  	s7 =	sld [smem:$0x3FB5]  }
0x2d: {  	s3 =	simm.s32 $0x108;
	s8 =	sld [smem:$0x3FB6]  }
0x2e: {  	s3 =	simm.s32 @!p0 $0x1082;
	s9 =	sld [smem:$0x3FB7]  }
0x2f: {  	lr =	sadd.s32 s0, s3;
	s0 =	sld [smem:$0x3FAE]  }
0x30: {  	s3 =	sld [smem:$0x3FB1]  }
0x31: {  	[smem:$0x3FBA] =	sst s10  }
0x32: {  	s10 =	sld [smem:$0x3FB8];
	_ =	sdelay $0x3  }
0x33: {  	p0 =	seq.s32 s10, $0x1;
	s10 =	sld [smem:$0x3FBA];
	_ =	sdelay $0x3  }
0x34: {  	[smem:$0x3FBA] =	sst s10  }
0x35: {  	s10 =	sld [smem:$0x3FB9];
	_ =	sdelay $0x3  }
0x36: {  	p1 =	seq.s32 s10, $0x1;
	s10 =	sld [smem:$0x3FBA];
	_ =	sdelay $0x3  }
0x37: {  	[smem:$0x3FBA] =	sst s10  }
0x38: {  	s10 =	sld [smem:$0x3FBB]  }
0x39: {  	_ = 	snop;
	(pc) =	sbr.ind lr, $3  }
0x3a: {  	_ = 	snop  }
0x3b: {  	_ = 	snop  }
0x3c: {  	p2 =	seq.s32 s10, $0x1;
	s10 =	sld [smem:$0x3FBA]  }
0x3d: {  	_ =	shalt  }
0x3e: {  	_ =	shalt  }
0x3f: {  	_ =	shalt  }
0x40: {  	_ =	shalt  }
0x41: {  	_ =	shalt  }
0x42: {  	_ =	shalt  }
0x43: {  	_ =	shalt  }
0x44: {  	_ =	shalt  }
0x45: {  	_ =	shalt  }
0x46: {  	_ =	shalt  }
0x47: {  	_ =	shalt  }
0x48: {  	_ =	shalt  }
0x49: {  	_ =	shalt  }
0x4a: {  	_ =	shalt  }
0x4b: {  	_ =	shalt  }
0x4c: {  	_ =	shalt  }
0x4d: {  	_ =	shalt  }
0x4e: {  	_ =	shalt  }
0x4f: {  	_ =	shalt  }
0x50: {  	_ =	shalt  }
0x51: {  	_ =	shalt  }
0x52: {  	_ =	shalt  }
0x53: {  	_ =	shalt  }
0x54: {  	_ =	shalt  }
0x55: {  	_ =	shalt  }
0x56: {  	_ =	shalt  }
0x57: {  	_ =	shalt  }
0x58: {  	_ =	shalt  }
0x59: {  	_ =	shalt  }
0x5a: {  	_ =	shalt  }
0x5b: {  	_ =	shalt  }
0x5c: {  	_ =	shalt  }
0x5d: {  	_ =	shalt  }
0x5e: {  	_ =	shalt  }
0x5f: {  	_ =	shalt  }
0x60: {  	_ =	shalt  }
0x61: {  	_ =	shalt  }
0x62: {  	_ =	shalt  }
0x63: {  	_ =	shalt  }
0x64: {  	_ =	shalt  }
0x65: {  	_ =	shalt  }
0x66: {  	_ =	shalt  }
0x67: {  	_ =	shalt  }
0x68: {  	_ =	shalt  }
0x69: {  	_ =	shalt  }
0x6a: {  	_ =	shalt  }
0x6b: {  	_ =	shalt  }
0x6c: {  	_ =	shalt  }
0x6d: {  	_ =	shalt  }
0x6e: {  	_ =	shalt  }
0x6f: {  	_ =	shalt  }
0x70: {  	_ =	shalt  }
0x71: {  	_ =	shalt  }
0x72: {  	_ =	shalt  }
0x73: {  	_ =	shalt  }
0x74: {  	_ =	shalt  }
0x75: {  	_ =	shalt  }
0x76: {  	_ =	shalt  }
0x77: {  	_ =	shalt  }
0x78: {  	_ =	shalt  }
0x79: {  	_ =	shalt  }
0x7a: {  	_ =	shalt  }
0x7b: {  	_ =	shalt  }
0x7c: {  	_ =	shalt  }
0x7d: {  	_ =	shalt  }
0x7e: {  	_ =	shalt  }
0x7f: {  	_ =	shalt  }
0x80: {  	_ =	shalt  }
0x81: {  	_ =	shalt  }
0x82: {  	_ =	shalt  }
0x83: {  	_ =	shalt  }
0x84: {  	_ =	shalt  }
0x85: {  	_ =	shalt  }
0x86: {  	_ =	shalt  }
0x87: {  	_ =	shalt  }
.Lfunc_end0:
.L_simem_size_0:
called_computation_lowered:
.L_overlay_start_0:
0x88: {  	s2 =	sld [smem:$0x3FD9]  }
0x89: {  	s3 =	sld [smem:$0x3FFE];
	_ =	sdelay $0x1  }
0x8a: {  	s1 =	srdreg.scid  }
0x8b: {  	s0 =	sand.u32 $0x1, s1  }
0x8c: {  	s14 =	sshll.u32 s0, $0xA;
	s2 =	sadd.s32 s3, s2  }
0x8d: {  	s2 =	sadd.s32 s2, s14  }
0x8e: {  	[smem:$0x3FC6] =	sst s2  }
0x8f: {  	_ = 	snop  }
0x90: {  	s2 =	sld [smem:$0x3FD0];
	_ =	sdelay $0x2  }
0x91: {  	s15 =	simm.s32 $0xA;
	s4 =	simm.s32 $0x10  }
0x92: {  	[smem:s4], [sflag:s15] =	dma.local [hbm:s2], $0x1  }
0x93: {  	_ =	swait.eq [sflag:s15], $0x1  }
0x94: {  	[sflag:s15] =	ssyncset.done $0x0  }
0x95: {  	s16 =	sld [smem:$0x10];
	[sflag:s15] =	ssyncadd.s32 $0xFFFFFFFF  }
0x96: {  	s17 =	sld [smem:$0x11];
	(tm) =	ssettm $0x1  }
0x97: {  	s18 =	sld [smem:$0x3FFB];
	_ =	sdelay $0x3  }
0x98: {  	_ =	strace s18  }
0x99: {  	s4 =	sld [smem:$0x3FFC];
	_ =	sdelay $0x3  }
0x9a: {  	_ =	strace s4  }
0x9b: {  	s4 =	sld [smem:$0x3FFD];
	_ =	sdelay $0x3  }
0x9c: {  	_ =	strace s4  }
0x9d: {  	_ =	strace $0x8FFFFFFF  }
0x9e: {  	s19 =	sld [smem:$0x3FDB];
	_ =	sdelay $0x1  }
0x9f: {  	s5 =	simm.s32 $_scs_section_size  }
0xa0: {  	s6 =	simm.s32 $_size__tile_overlayer_lowered;
	s7 =	simm.s32 $_tile_overlayer_lowered  }
0xa1: {  	s22 =	simm.s32 $0x1BFF;
	s21 =	sshll.u32 s7, $0x1;
	s4 =	sadd.s32 s5, s19  }
0xa2: {  	s8 =	simm.s32 $0x0;
	s20 =	sshll.u32 s6, $0x1;
	s6 =	sadd.s32 s21, s4  }
0xa3: {  	[timem:s8], [sflag:s22] =	dma.local [hbm:s6], s20  }
0xa4: {  	_ =	swait.ge [sflag:s22], s20  }
0xa5: {  	s5 =	ssub.s32 $0x0, s20;
	[sflag:s22] =	ssyncset.done $0x0  }
0xa6: {  	[sflag:s22] =	ssyncadd.s32 s5;
	_ =	sdelay $0x1  }
0xa7: {  	s23 =	simm.s32 $0x1B8B  }
0xa8: {  	_ =	swait.ge [sflag:s23], $0x1  }
0xa9: {  	[sflag:s23] =	ssyncset.done $0x0  }
0xaa: {  	s25 =	simm.s32 $0x1B8E;
	s24 =	sld [smem:$0x3FFE];
	[sflag:s23] =	ssyncadd.s32 $0xFFFFFFFF  }
0xab: {  	s26 =	simm.s32 $execute0_lowered;
	[smem:$0x3FD2] =	sst s25  }
0xac: {  	s6 =	sshll.u32 s26, $0x1;
	_ =	strace $0x80000046;
	[dreg:$0x1] =	wrdreg $0xFFFFFFFF  }
0xad: {  	s28 =	simm.s32 $_size_execute0_lowered;
	s4 =	sadd.s32 s4, s6;
	[dreg:$0x0] =	wrdreg $0x0  }
0xae: {  	s6 =	sshll.u32 s28, $0x1;
	[dreg:$0x2] =	wrdreg s4  }
0xaf: {  	[dreg:$0x3] =	wrdreg s6  }
0xb0: {  	[dreg:$0x4] =	wrdreg $0xC0  }
0xb1: {  	_ =	task [dreg:s8], $0x5FFFF  }
0xb2: {  	[dreg:$0x1] =	wrdreg $0xFFFFFFFF  }
0xb3: {  	[dreg:$0x0] =	wrdreg $0x60  }
0xb4: {  	[dreg:$0x2] =	wrdreg s24  }
0xb5: {  	[dreg:$0x3] =	wrdreg s17  }
0xb6: {  	[dreg:$0x4] =	wrdreg s16  }
0xb7: {  	[dreg:$0x5] =	wrdreg $0x9  }
0xb8: {  	_ =	task.clear_ibuf [dreg:s8], $0x6FFFF;
	_ =	strace $0x90000046  }
0xb9: {  	s29 =	simm.s32 $0x9;
	_ =	strace $0x80000048  }
0xba: {  	_ =	swait.ge [sflag:s29], $0x1  }
0xbb: {  	[sflag:s29] =	ssyncadd.s32 $0xFFFFFFFF  }
0xbc: {  	_ =	strace $0x90000048  }
0xbd: {  	_ =	sfence  }
0xbe: {  	s30 =	sld [smem:$0x0];
	_ =	sdelay $0x2  }
0xbf: {  	s31 =	sshll.u32 s1, $0xD;
	s1 =	sshrl.u32 s1, $0x2  }
0xc0: {  	s3 =	sand.u32 $0x4000, s31;
	s1 =	sadd.s32 s1, s30  }
0xc1: {  	s0 =	sor.u32 s3, s0;
	s1 =	sshll.u32 s1, $0x11  }
0xc2: {  	s0 =	sor.u32 s1, s0  }
0xc3: {  	s0 =	sadd.s32 $0x8F2B, s0  }
0xc4: {  	[sflag:s0] =	ssyncadd.remote.s32 $0x1  }
0xc5: {  	_ =	sfence.sel $0xFFFF  }
0xc6: {  	[dreg:$0x0] =	wrdreg $0xFFFFFFFF;
	(pc) =	sbr.abs _section_cstart, $3  }
0xc7: {  	[dreg:$0x1] =	wrdreg $0xFFFFFFFF  }
0xc8: {  	_ =	task.clear_ibuf [dreg:s8], $0x2FFFF;
	_ =	strace $0x9FFFFFFF  }
0xc9: {  	(tm) =	ssettm $0x7FFFFFFF  }
tec
execute0_lowered:
.L_overlay_start_1:
0x0: {  	(tag) =	ssettag $0x1  }
0x1: {  	s3 =	rddreg [dreg:$0x0]  }
0x2: {  	s4 =	rddreg [dreg:$0x1]  }
0x3: {  	s5 =	rddreg [dreg:$0x2]  }
0x4: {  	s0 =	rddreg [dreg:$0x3];
	s6 =	srdreg.scid  }
0x5: {  	s1 =	stileid.u32;
	s2 =	simm.s32 $0x0;
	s9 =	simm.s32 $0xC00  }
0x6: {  	s10 =	simm.s32 $0x0;
	s6 =	sand.u32 $0x1, s6;
	s7 =	sshll.u32 s1, $0x1  }
0x7: {  	[smem:$0x7FF] =	sst s2;
	s7 =	sor.u32 s6, s7;
	s6 =	ssub.s32 $0x2, s6  }
0x8: {  	_ =	strace $0x80000047;
	s8 =	sshll.u32 s7, $0x7;
	s31 =	sshrl.u32 s6, $0x1  }
0x9: {  	v0 =	vimm.s32 $0x0;
	s7 =	sshll.u32 s7, $0x8;
	s3 =	sadd.s32 s8, s3;
	s6 =	ssub.s32 s6, s31  }
0xa: {  	v1 =	vimm.s32 $0x2;
	vm0 =	vmmov $0xff;
	v2 =	vlaneseq.u32;
	s4 =	sadd.s32 s4, s7;
	s5 =	sadd.s32 s5, s7;
	s7 =	simm.s32 $0x1  }
0xb: {  	v3 =	vimm.f32 $9.999999930e-09;
	v4 =	vimm.f32 $-1.842068100e+01;
	v2 =	vand.u32 $0x7, v2;
	s8 =	simm.s32 $0x400;
	s3 =	sadd.s32 $0xE00, s3;
	s6 =	smax.u32 s6, $0x1  }
.LBB2_1:
0xc: {  	[tilespmem:s2], [sflag:$0x1] =	stream.linear.gather [hbm4b:s3+s2], $0x400, $0x38;
	[tilespmem:$0x1400] =	vst v63  }
0xd: {  	_ =	swait.ge [sflag:s7], $0x400  }
0xe: {  	s11 =	sand.u32 $0x70, s2;
	s12 =	sand.u32 $0x200, s2;
	[sflag:s7] =	ssyncset.done $0x0  }
0xf: {  	s11 =	sor.u32 s11, s12;
	[sflag:s7] =	ssyncadd.s32 $0xFFFFFC00  }
0x10: {  	v5 =	vld [tilespmem:s11+$0x180]  }
0x11: {  	v6 =	vld [tilespmem:s11+$0x100]  }
0x12: {  	v7 =	vld [tilespmem:s11+$0x80]  }
0x13: {  	v8 =	vld [tilespmem:s11+$0x0];
	_ =	sdelay $0x3  }
0x14: {  	vm1 =	vgt.f32 v5, v6  }
0x15: {  	vm2 =	vgt.f32 v7, v8;
	v7 =	vmax.f32 v8, v7;
	v5 =	vmax.f32 v6, v5  }
0x16: {  	v6 =	vsel vm2, $0x1, v0;
	v8 =	vsel vm1, $0x3, v1;
	vm1 =	vgt.f32 v5, v7  }
0x17: {  	v5 =	vsel vm1, v8, v6  }
0x18: {  	v6 =	vbroadcast v5, $0x1;
	v7 =	vbroadcast v5, $0x0;
	_ =	sdelay $0x1  }
0x19: {  	v8 =	vbroadcast v5, $0x2;
	v6 =	vsel vm0, v7, v6;
	v7 =	vbroadcast v5, $0x3  }
0x1a: {  	vm1 =	veq.s32 v6, v2;
	v6 =	vbroadcast v5, $0x5  }
0x1b: {  	s12 =	simm.s32 $0x440;
	v9 =	vsel vm1, $0x3F800000, v3;
	v7 =	vsel vm0, v8, v7;
	v8 =	vbroadcast v5, $0x4  }
0x1c: {  	s11 =	simm.s32 $0xC40;
	[tilespmem:s12+$0xFFFFFFC0] =	vst v9;
	v9 =	vsel vm1, $0x0, v4;
	vm1 =	veq.s32 v7, v2;
	v7 =	vbroadcast v5, $0x7  }
0x1d: {  	[tilespmem:s11+$0xFFFFFFC0] =	vst v9;
	v9 =	vsel vm1, $0x3F800000, v3;
	v6 =	vsel vm0, v8, v6;
	v8 =	vbroadcast v5, $0x6  }
0x1e: {  	[tilespmem:s12+$0xFFFFFFD0] =	vst v9;
	v9 =	vsel vm1, $0x0, v4;
	vm1 =	veq.s32 v6, v2;
	v6 =	vbroadcast v5, $0x9  }
0x1f: {  	[tilespmem:s11+$0xFFFFFFD0] =	vst v9;
	v9 =	vsel vm1, $0x3F800000, v3;
	v7 =	vsel vm0, v8, v7;
	v8 =	vbroadcast v5, $0x8  }
0x20: {  	[tilespmem:s12+$0xFFFFFFE0] =	vst v9;
	v9 =	vsel vm1, $0x0, v4;
	vm1 =	veq.s32 v7, v2;
	v7 =	vbroadcast v5, $0xB  }
0x21: {  	[tilespmem:s11+$0xFFFFFFE0] =	vst v9;
	v9 =	vsel vm1, $0x3F800000, v3;
	v6 =	vsel vm0, v8, v6;
	v8 =	vbroadcast v5, $0xA  }
0x22: {  	[tilespmem:s12+$0xFFFFFFF0] =	vst v9;
	v9 =	vsel vm1, $0x0, v4;
	vm1 =	veq.s32 v6, v2;
	v6 =	vbroadcast v5, $0xD  }
0x23: {  	[tilespmem:s11+$0xFFFFFFF0] =	vst v9;
	v9 =	vsel vm1, $0x3F800000, v3;
	v7 =	vsel vm0, v8, v7;
	v8 =	vbroadcast v5, $0xC  }
0x24: {  	v10 =	vbroadcast v5, $0xF;
	[tilespmem:s12+$0x0] =	vst v9;
	v9 =	vsel vm1, $0x0, v4;
	vm1 =	veq.s32 v7, v2  }
0x25: {  	v5 =	vbroadcast v5, $0xE;
	[tilespmem:s11+$0x0] =	vst v9;
	v7 =	vsel vm1, $0x3F800000, v3;
	v6 =	vsel vm0, v8, v6  }
0x26: {  	[tilespmem:s12+$0x10] =	vst v7;
	v7 =	vsel vm1, $0x0, v4;
	vm1 =	veq.s32 v6, v2  }
0x27: {  	v5 =	vsel vm0, v5, v10;
	[tilespmem:s11+$0x10] =	vst v7;
	v6 =	vsel vm1, $0x3F800000, v3  }
0x28: {  	vm2 =	veq.s32 v5, v2;
	v5 =	vsel vm1, $0x0, v4;
	[tilespmem:s12+$0x20] =	vst v6  }
0x29: {  	s14 =	simm.s32 $0x10;
	s13 =	simm.s32 $0x40;
	v6 =	vsel vm2, $0x3F800000, v3;
	[tilespmem:s11+$0x20] =	vst v5  }
0x2a: {  	s14 =	sand.u32 $0x70, s14;
	s15 =	sand.u32 $0x200, s13;
	v5 =	vsel vm2, $0x0, v4;
	[tilespmem:s12+$0x30] =	vst v6  }
0x2b: {  	s14 =	sor.u32 s14, s15;
	[tilespmem:s11+$0x30] =	vst v5  }
0x2c: {  	v5 =	vld [tilespmem:s14+$0x180]  }
0x2d: {  	v6 =	vld [tilespmem:s14+$0x100]  }
0x2e: {  	v7 =	vld [tilespmem:s14+$0x80]  }
0x2f: {  	v8 =	vld [tilespmem:s14+$0x0];
	_ =	sdelay $0x3  }
0x30: {  	vm1 =	vgt.f32 v5, v6  }
0x31: {  	vm2 =	vgt.f32 v7, v8;
	v7 =	vmax.f32 v8, v7;
	v5 =	vmax.f32 v6, v5  }
0x32: {  	v6 =	vsel vm2, $0x1, v0;
	v8 =	vsel vm1, $0x3, v1;
	vm1 =	vgt.f32 v5, v7  }
0x33: {  	v5 =	vsel vm1, v8, v6  }
0x34: {  	v8 =	vbroadcast v5, $0x1;
	v9 =	vbroadcast v5, $0x0  }
0x35: {  	v6 =	vbroadcast v5, $0xF;
	v7 =	vbroadcast v5, $0xE  }
0x36: {  	s14 =	simm.s32 $0x20;
	v10 =	vsel vm0, v9, v8;
	v8 =	vbroadcast v5, $0x3;
	v9 =	vbroadcast v5, $0x2  }
.LBB2_2:
0x37: {  	p0 =	sne.s32 s14, $0xF0;
	vm1 =	veq.s32 v10, v2;
	v10 =	vbroadcast v5, $0x5;
	v6 =	vsel vm0, v7, v6  }
0x38: {  	s12 =	sadd.s32 $0x80, s12;
	v7 =	vsel vm1, $0x3F800000, v3;
	v8 =	vsel vm0, v9, v8;
	v9 =	vbroadcast v5, $0x4  }
0x39: {  	s11 =	sadd.s32 $0x80, s11;
	[tilespmem:s12+$0xFFFFFFC0] =	vst v7;
	v7 =	vsel vm1, $0x0, v4;
	vm1 =	veq.s32 v8, v2;
	v8 =	vbroadcast v5, $0x7  }
0x3a: {  	[tilespmem:s11+$0xFFFFFFC0] =	vst v7;
	v7 =	vsel vm1, $0x3F800000, v3;
	v9 =	vsel vm0, v9, v10;
	v10 =	vbroadcast v5, $0x6  }
0x3b: {  	[tilespmem:s12+$0xFFFFFFD0] =	vst v7;
	v7 =	vsel vm1, $0x0, v4;
	vm1 =	veq.s32 v9, v2;
	v9 =	vbroadcast v5, $0x9  }
0x3c: {  	[tilespmem:s11+$0xFFFFFFD0] =	vst v7;
	v7 =	vsel vm1, $0x3F800000, v3;
	v8 =	vsel vm0, v10, v8;
	v10 =	vbroadcast v5, $0x8  }
0x3d: {  	[tilespmem:s12+$0xFFFFFFE0] =	vst v7;
	v7 =	vsel vm1, $0x0, v4;
	vm1 =	veq.s32 v8, v2;
	v8 =	vbroadcast v5, $0xB  }
0x3e: {  	[tilespmem:s11+$0xFFFFFFE0] =	vst v7;
	v7 =	vsel vm1, $0x3F800000, v3;
	v9 =	vsel vm0, v10, v9;
	v10 =	vbroadcast v5, $0xA  }
0x3f: {  	[tilespmem:s12+$0xFFFFFFF0] =	vst v7;
	v7 =	vsel vm1, $0x0, v4;
	vm1 =	veq.s32 v9, v2;
	v9 =	vbroadcast v5, $0xD  }
0x40: {  	v5 =	vbroadcast v5, $0xC;
	[tilespmem:s11+$0xFFFFFFF0] =	vst v7;
	v7 =	vsel vm1, $0x3F800000, v3;
	v8 =	vsel vm0, v10, v8  }
0x41: {  	vm2 =	veq.s32 v6, v2;
	[tilespmem:s12+$0x0] =	vst v7;
	v7 =	vsel vm1, $0x0, v4;
	vm1 =	veq.s32 v8, v2  }
0x42: {  	v5 =	vsel vm0, v5, v9;
	[tilespmem:s11+$0x0] =	vst v7;
	v6 =	vsel vm1, $0x3F800000, v3;
	v7 =	vsel vm2, $0x3F800000, v3  }
0x43: {  	[tilespmem:s12+$0x10] =	vst v6;
	v6 =	vsel vm1, $0x0, v4;
	vm1 =	veq.s32 v5, v2;
	v5 =	vsel vm2, $0x0, v4  }
0x44: {  	[tilespmem:s11+$0x10] =	vst v6;
	v6 =	vsel vm1, $0x3F800000, v3;
	v8 =	vsel vm1, $0x0, v4  }
0x45: {  	[tilespmem:s12+$0x20] =	vst v6  }
0x46: {  	s13 =	sadd.s32 $0x40, s13;
	[tilespmem:s11+$0x20] =	vst v8  }
0x47: {  	s15 =	sand.u32 $0x70, s14;
	s16 =	sand.u32 $0x200, s13;
	[tilespmem:s12+$0x30] =	vst v7  }
0x48: {  	s15 =	sor.u32 s15, s16;
	[tilespmem:s11+$0x30] =	vst v5  }
0x49: {  	v5 =	vld [tilespmem:s15+$0x180]  }
0x4a: {  	v6 =	vld [tilespmem:s15+$0x100]  }
0x4b: {  	v7 =	vld [tilespmem:s15+$0x80]  }
0x4c: {  	v8 =	vld [tilespmem:s15+$0x0];
	_ =	sdelay $0x3  }
0x4d: {  	vm1 =	vgt.f32 v5, v6  }
0x4e: {  	v5 =	vmax.f32 v6, v5;
	vm2 =	vgt.f32 v7, v8;
	v7 =	vmax.f32 v8, v7  }
.Ltmp0:
0x4f: {  	v8 =	vsel vm1, $0x3, v1;
	v6 =	vsel vm2, $0x1, v0;
	vm1 =	vgt.f32 v5, v7;
	(pc) =	sbr.rel @p0 .LBB2_2-.Ltmp0, $4  }
0x50: {  	v5 =	vsel vm1, v8, v6  }
0x51: {  	v8 =	vbroadcast v5, $0x1;
	v9 =	vbroadcast v5, $0x0  }
0x52: {  	v6 =	vbroadcast v5, $0xF;
	v7 =	vbroadcast v5, $0xE  }
0x53: {  	s14 =	sadd.s32 $0x10, s14;
	v10 =	vsel vm0, v9, v8;
	v8 =	vbroadcast v5, $0x3;
	v9 =	vbroadcast v5, $0x2  }
0x54: {  	vm1 =	veq.s32 v10, v2;
	v45 =	vbroadcast v5, $0x5  }
0x55: {  	v46 =	vbroadcast v5, $0x4;
	s12 =	sadd.s32 $0x80, s12;
	v11 =	vsel vm1, $0x3F800000, v3;
	v8 =	vsel vm0, v9, v8  }
0x56: {  	v48 =	vbroadcast v5, $0x7;
	s11 =	sadd.s32 $0x80, s11;
	v47 =	vsel vm1, $0x0, v4;
	[tilespmem:s12+$0xFFFFFFC0] =	vst v11;
	vm1 =	veq.s32 v8, v2  }
0x57: {  	v50 =	vbroadcast v5, $0x6;
	v9 =	vsel vm0, v46, v45;
	[tilespmem:s11+$0xFFFFFFC0] =	vst v47;
	v49 =	vsel vm1, $0x3F800000, v3  }
0x58: {  	v52 =	vbroadcast v5, $0x9;
	v51 =	vsel vm1, $0x0, v4;
	vm1 =	veq.s32 v9, v2;
	[tilespmem:s12+$0xFFFFFFD0] =	vst v49  }
0x59: {  	v54 =	vbroadcast v5, $0x8;
	v8 =	vsel vm0, v50, v48;
	v53 =	vsel vm1, $0x3F800000, v3;
	[tilespmem:s11+$0xFFFFFFD0] =	vst v51  }
0x5a: {  	v56 =	vbroadcast v5, $0xB;
	v55 =	vsel vm1, $0x0, v4;
	vm1 =	veq.s32 v8, v2;
	[tilespmem:s12+$0xFFFFFFE0] =	vst v53  }
0x5b: {  	v58 =	vbroadcast v5, $0xA;
	v9 =	vsel vm0, v54, v52;
	v57 =	vsel vm1, $0x3F800000, v3;
	[tilespmem:s11+$0xFFFFFFE0] =	vst v55  }
0x5c: {  	v60 =	vbroadcast v5, $0xD;
	v59 =	vsel vm1, $0x0, v4;
	vm1 =	veq.s32 v9, v2;
	[tilespmem:s12+$0xFFFFFFF0] =	vst v57  }
0x5d: {  	v5 =	vbroadcast v5, $0xC;
	v8 =	vsel vm0, v58, v56;
	v61 =	vsel vm1, $0x3F800000, v3;
	[tilespmem:s11+$0xFFFFFFF0] =	vst v59  }
0x5e: {  	v62 =	vsel vm1, $0x0, v4;
	vm1 =	veq.s32 v8, v2;
	[tilespmem:s12+$0x0] =	vst v61  }
0x5f: {  	v5 =	vsel vm0, v5, v60;
	v8 =	vsel vm1, $0x3F800000, v3;
	[tilespmem:s11+$0x0] =	vst v62  }
0x60: {  	v63 =	vsel vm1, $0x0, v4;
	vm1 =	veq.s32 v5, v2;
	[tilespmem:s12+$0x10] =	vst v8  }
0x61: {  	v5 =	vsel vm0, v7, v6;
	v6 =	vsel vm1, $0x3F800000, v3;
	[tilespmem:s11+$0x10] =	vst v63  }
0x62: {  	vm2 =	veq.s32 v5, v2;
	v5 =	vsel vm1, $0x0, v4;
	[tilespmem:s12+$0x20] =	vst v6  }
0x63: {  	v6 =	vsel vm2, $0x3F800000, v3;
	[tilespmem:s11+$0x20] =	vst v5  }
0x64: {  	v5 =	vsel vm2, $0x0, v4;
	[tilespmem:s12+$0x30] =	vst v6  }
0x65: {  	[tilespmem:s11+$0x30] =	vst v5  }
0x66: {  	[hbm4b:s4+s2] =	stream.linear.scatter [tilespmem:s8], [sflag:$0x1], $0x800, $0x38;
	[tilespmem:$0x1400] =	vst v63  }
0x67: {  	s10 =	sadd.s32 $0x1, s10;
	_ =	swait.ge [sflag:s7], $0x800  }
0x68: {  	p0 =	sne.s32 s10, s6;
	[sflag:s7] =	ssyncset.done $0x0  }
.Ltmp1:
0x69: {  	[sflag:s7] =	ssyncadd.s32 $0xFFFFF800;
	(pc) =	sbr.rel @p0 .LBB2_1-.Ltmp1, $4  }
0x6a: {  	[hbm4b:s5+s2] =	stream.linear.scatter [tilespmem:s9], [sflag:$0x1], $0x800, $0x38;
	[tilespmem:$0x1400] =	vst v63  }
0x6b: {  	_ =	swait.ge [sflag:s7], $0x800  }
0x6c: {  	[sflag:s7] =	ssyncset.done $0x0  }
0x6d: {  	[sflag:s7] =	ssyncadd.s32 $0xFFFFF800  }
0x6e: {  	_ =	sfence.sel $0x180000  }
0x6f: {  	[bflag:$0x0] =	sbarrier.arrive $0xFFFF  }
0x70: {  	p0 =	sne.s32 s1, $0x0;
	_ =	strace $0x90000047  }
0x71: {  	s0 =	sadd.s32 @!p0 $0x100000, s0;
	[bflag:$0x2] =	sbarrier.arrive $0xFFFF  }
0x72: {  	[sflag:s0] =	ssyncadd.tile.s32 @!p0 $0x1;
	_ =	shalt  }
.Lfunc_end2:
_tile_overlayer_lowered:
.L_overlay_start_2:
0x73: {  	(tag) =	ssettag $0x2  }
0x74: {  	s0 =	rddreg [dreg:$0x0];
	s2 =	stileid.u32  }
0x75: {  	s1 =	rddreg [dreg:$0x1];
	p0 =	sne.s32 s2, $0x0  }
0x76: {  	s3 =	rddreg [dreg:$0x2];
	[bflag:$0x3] =	sbarrier.arrive $0xFFFF;
	s2 =	simm.s32 @!p0 $0x1C01  }
0x77: {  	[timem:s3], [sflag:s2] =	dma.local @!p0 [hbm:s0], s1  }
0x78: {  	s0 =	simm.s32 @!p0 $0x1  }
0x79: {  	_ =	swait.ge @!p0 [sflag:s0], s1  }
0x7a: {  	s1 =	ssub.s32 @!p0 $0x0, s1;
	[sflag:s0] =	ssyncset.done @!p0 $0x0  }
0x7b: {  	[sflag:s0] =	ssyncadd.s32 @!p0 s1  }
0x7c: {  	[bflag:$0x3] =	sbarrier.arrive $0xFFFF  }
0x7d: {  	_ =	shalt  }

</sc_bundles>
